<compile_context>
chip_gen: v7x
topology: tpu7x:2x2x1
jax: 0.10.2.dev20260603
libtpu: 0.0.44.dev20260713+nightly
codegen_flags: <defaults>
</compile_context>

<pallas_src>
import functools

import jax
import jax.numpy as jnp
from jax import lax
from jax.experimental import pallas as pl
from jax.experimental.pallas import tpu as pltpu
from jax.experimental.pallas import tpu_sc as plsc

_FIELDS = 26
_K = 16


def _sc_gather(feature_flat, v_table, w16_table):
    n = feature_flat.shape[0]
    info = plsc.get_sparse_core_info()
    nw = info.num_cores * info.num_subcores
    per_w = n // nw
    chunk = 1024
    n_chunks = per_w // chunk
    mesh = plsc.VectorSubcoreMesh(core_axis_name="c", subcore_axis_name="s")

    @functools.partial(
        pl.kernel,
        mesh=mesh,
        compiler_params=pltpu.CompilerParams(
            use_tc_tiling_on_sc=False, needs_layout_passes=False),
        out_type=(
            jax.ShapeDtypeStruct((n, _K), jnp.float32),
            jax.ShapeDtypeStruct((n,), jnp.float32),
        ),
        scratch_types=[
            pltpu.VMEM((chunk,), jnp.int32),
            pltpu.VMEM((chunk,), jnp.int32),
            pltpu.VMEM((chunk,), jnp.int32),
            pltpu.VMEM((chunk, _K), jnp.float32),
            pltpu.VMEM((chunk, _K), jnp.float32),
            pltpu.VMEM((chunk,), jnp.float32),
            pltpu.SemaphoreType.DMA,
            pltpu.SemaphoreType.DMA,
        ],
    )
    def k(feat_hbm, vtab_hbm, w16_hbm, outv_hbm, outw_hbm,
          idx_v, rowids_v, vrow_v, rows_v, w16rows_v, wvals_v, sem_v, sem_w):
        wid = lax.axis_index("s") * info.num_cores + lax.axis_index("c")
        base = wid * per_w

        def body(i, carry):
            off = base + i * chunk
            pltpu.sync_copy(feat_hbm.at[pl.ds(off, chunk)], idx_v)

            def mk_rowids(j, c):
                v = idx_v[pl.ds(j * 16, 16)]
                rowids_v[pl.ds(j * 16, 16)] = lax.shift_right_logical(v, 4)
                vrow_v[pl.ds(j * 16, 16)] = lax.shift_left(v, 3)
                return c
            lax.fori_loop(0, chunk // 16, mk_rowids, 0)

            cp_v = pltpu.async_copy(vtab_hbm.at[vrow_v], rows_v, sem_v)
            cp_w = pltpu.async_copy(w16_hbm.at[rowids_v], w16rows_v, sem_w)
            cp_v.wait()
            pltpu.sync_copy(rows_v, outv_hbm.at[pl.ds(off, chunk)])
            cp_w.wait()

            def extract(j, c):
                lane = idx_v[pl.ds(j * 16, 16)] & 15
                rowv = lax.iota(jnp.int32, 16) + j * 16
                wvals_v[pl.ds(j * 16, 16)] = plsc.load_gather(
                    w16rows_v, [rowv, lane])
                return c
            lax.fori_loop(0, chunk // 16, extract, 0)

            pltpu.sync_copy(wvals_v, outw_hbm.at[pl.ds(off, chunk)])
            return carry

        lax.fori_loop(0, n_chunks, body, 0)

    return k(feature_flat, v_table, w16_table)


def _padlin_body(vt_ref, out_ref):
    out_ref[:, 0:_K] = vt_ref[...].T


def _tc_padlin(vt):
    rows, = vt.shape[1:]
    blk = 8192
    grid = (pl.cdiv(rows, blk),)
    return pl.pallas_call(
        _padlin_body,
        grid=grid,
        in_specs=[pl.BlockSpec((_K, blk), lambda i: (0, i))],
        out_specs=pl.BlockSpec((blk, 128), lambda i: (i, 0)),
        out_shape=jax.ShapeDtypeStruct((rows, 128), jnp.float32),
    )(vt)


def _tc_body(v_ref, wg_ref, w1_ref, b1_ref, w2_ref, b2_ref, w3_ref, b3_ref,
             wo_ref, bo_ref, out_ref):
    emb = v_ref[...]
    blk = emb.shape[0]
    d = emb.shape[1]
    sel = (lax.broadcasted_iota(jnp.int32, (d, _K), 0) % _K
           == lax.broadcasted_iota(jnp.int32, (d, _K), 1))
    a_f32 = sel.astype(jnp.float32)
    dn0 = (((1,), (0,)), ((), ()))
    s = lax.dot_general(emb, a_f32, dn0, preferred_element_type=jnp.float32)
    ss = lax.dot_general(emb * emb, a_f32, dn0,
                         preferred_element_type=jnp.float32)
    fm = 0.5 * jnp.sum(s * s - ss, axis=1, keepdims=True)
    wsum = jnp.sum(wg_ref[...], axis=1, keepdims=True)

    dn = (((1,), (1,)), ((), ()))
    h = jnp.maximum(
        lax.dot_general(emb, w1_ref[...], dn, preferred_element_type=jnp.float32)
        + b1_ref[...], 0.0)
    h = jnp.maximum(
        lax.dot_general(h, w2_ref[...], dn, preferred_element_type=jnp.float32)
        + b2_ref[...], 0.0)
    h = jnp.maximum(
        lax.dot_general(h, w3_ref[...], dn, preferred_element_type=jnp.float32)
        + b3_ref[...], 0.0)
    dnn = lax.dot_general(h, wo_ref[...], dn, preferred_element_type=jnp.float32)
    out_ref[...] = fm + wsum + dnn + bo_ref[...]


def _tc_compute(V2, Wg2, W1, b1, W2, b2, W3, b3, Wout, bout, *, interpret=False):
    batch, d = V2.shape
    blk = 1024
    grid = (batch // blk,)
    full = lambda shape: pl.BlockSpec(shape, lambda i: (0, 0))
    return pl.pallas_call(
        _tc_body,
        grid=grid,
        in_specs=[
            pl.BlockSpec((blk, d), lambda i: (i, 0)),
            pl.BlockSpec((blk, _FIELDS), lambda i: (i, 0)),
            full(W1.shape), full(b1.shape),
            full(W2.shape), full(b2.shape),
            full(W3.shape), full(b3.shape),
            full(Wout.shape), full(bout.shape),
        ],
        out_specs=pl.BlockSpec((blk, 1), lambda i: (i, 0)),
        out_shape=jax.ShapeDtypeStruct((batch, 1), jnp.float32),
        interpret=interpret,
    )(V2, Wg2, W1, b1, W2, b2, W3, b3, Wout, bout)


def kernel(feature, w_table, v_table, W1, b1, W2, b2, W3, b3, Wout, bout):
    batch, fields = feature.shape
    flat_idx = feature.reshape(-1).astype(jnp.int32)
    w16 = lax.optimization_barrier(w_table.reshape(-1)).reshape(-1, _K)
    v_pad = _tc_padlin(v_table.T).reshape(-1, _K)
    V, Wg = _sc_gather(flat_idx, v_pad, w16)
    V2 = V.reshape(batch, fields * _K)
    Wg2 = Wg.reshape(batch, fields)
    return _tc_compute(V2, Wg2, W1, b1.reshape(1, -1), W2, b2.reshape(1, -1),
                       W3, b3.reshape(1, -1), Wout, bout.reshape(1, 1))

# --- scband reference (transcript-rebuilt; emitter-appended) ---
"""Pipeline reference for scband-deep-fm-86182813762081 (READ-ONLY COPY).

The authoritative reference and input builder live on the scoring server;
editing this copy changes nothing except your own understanding.
"""

import jax, jax.numpy as jnp
import numpy as np

FEASIZE = 1000000
FIELDS = 26
K = 16
BATCH = 16384
HIDDEN = [FIELDS * K, 16, 16, 16]


def setup_inputs(seed: int = 0) -> dict:
    key = jax.random.key(seed)
    ks = jax.random.split(key, 12)
    feature = jax.random.randint(ks[0], (BATCH, FIELDS), 0, FEASIZE)
    w_table = jax.random.normal(ks[1], (FEASIZE, 1), dtype=jnp.float32) * 0.01
    v_table = jax.random.normal(ks[2], (FEASIZE, K), dtype=jnp.float32) * 0.01
    W1 = jax.random.normal(ks[3], (HIDDEN[1], HIDDEN[0]), dtype=jnp.float32) * (1.0 / np.sqrt(HIDDEN[0]))
    b1 = jnp.zeros((HIDDEN[1],), dtype=jnp.float32)
    W2 = jax.random.normal(ks[4], (HIDDEN[2], HIDDEN[1]), dtype=jnp.float32) * (1.0 / np.sqrt(HIDDEN[1]))
    b2 = jnp.zeros((HIDDEN[2],), dtype=jnp.float32)
    W3 = jax.random.normal(ks[5], (HIDDEN[3], HIDDEN[2]), dtype=jnp.float32) * (1.0 / np.sqrt(HIDDEN[2]))
    b3 = jnp.zeros((HIDDEN[3],), dtype=jnp.float32)
    Wout = jax.random.normal(ks[6], (1, HIDDEN[3]), dtype=jnp.float32) * (1.0 / np.sqrt(HIDDEN[3]))
    bout = jnp.zeros((1,), dtype=jnp.float32)
    return {"feature": feature, "w_table": w_table, "v_table": v_table,
            "W1": W1, "b1": b1, "W2": W2, "b2": b2, "W3": W3, "b3": b3,
            "Wout": Wout, "bout": bout}


def reference(feature, w_table, v_table, W1, b1, W2, b2, W3, b3, Wout, bout):
    batchsize = feature.shape[0]
    # V = self.v(feature) -> embedding gather
    V = jnp.take(v_table, feature, axis=0)  # [B, F, K]
    # FM second-order term
    res = 0.5 * ((jnp.sum(V, axis=1) ** 2 - jnp.sum(V ** 2, axis=1)).sum(axis=1))
    res = res.reshape(batchsize, 1)
    # W = self.w(feature) -> first-order term
    W = jnp.take(w_table, feature, axis=0)  # [B, F, 1]
    res = res + jnp.sum(W, axis=1)
    # DNN on flattened embeddings
    emb = V.reshape(batchsize, -1)
    h = jnp.maximum(emb @ W1.T + b1, 0.0)
    h = jnp.maximum(h @ W2.T + b2, 0.0)
    h = jnp.maximum(h @ W3.T + b3, 0.0)
    dnn_out = h @ Wout.T + bout
    res = res + dnn_out
    return res

if __name__ == "__main__":
    import jax
    _d = setup_inputs()
    print(jax.jit(kernel)(*tuple(_d.values())))

</pallas_src>

<mosaic_0001>
#map = affine_map<(d0, d1) -> (0)>
#map1 = affine_map<(d0, d1) -> (0, 0)>
module attributes {stable_mosaic.version = 14 : i64} {
  func.func @k(%arg0: i32, %arg1: i32, %arg2: memref<425984xi32, #tpu.memory_space<hbm>>, %arg3: memref<8000000x16xf32, #tpu.memory_space<hbm>>, %arg4: memref<62500x16xf32, #tpu.memory_space<hbm>>, %arg5: memref<425984x16xf32, #tpu.memory_space<hbm>>, %arg6: memref<425984xf32, #tpu.memory_space<hbm>>, %arg7: memref<1024xi32, #tpu.memory_space<vmem>>, %arg8: memref<1024xi32, #tpu.memory_space<vmem>>, %arg9: memref<1024xi32, #tpu.memory_space<vmem>>, %arg10: memref<1024x16xf32, #tpu.memory_space<vmem>>, %arg11: memref<1024x16xf32, #tpu.memory_space<vmem>>, %arg12: memref<1024xf32, #tpu.memory_space<vmem>>, %arg13: memref<!tpu.dma_semaphore, #tpu.memory_space<semaphore_mem>>, %arg14: memref<!tpu.dma_semaphore, #tpu.memory_space<semaphore_mem>>) attributes {dimension_semantics = [#tpu.dimension_semantics<core_parallel>, #tpu.dimension_semantics<subcore_parallel>], iteration_bounds = array<i64: 2, 16>, scalar_prefetch = 0 : i64, scratch_operands = 8 : i64, tpu.core_type = #tpu.core_type<sc_vector_subcore>, window_params = [{transform_indices = #map}, {transform_indices = #map1}, {transform_indices = #map1}, {transform_indices = #map1}, {transform_indices = #map}]} {
    %mul3A = arith.constant 2 : i32
    %mul3A_0 = arith.muli %arg1, %mul3A : i32
    %add3A = arith.addi %mul3A_0, %arg0 : i32
    %mul3A_1 = arith.constant 13312 : i32
    %mul3A_2 = arith.muli %add3A, %mul3A_1 : i32
    %scan3A = arith.constant 0 : i32
    %scan3A_3 = arith.constant 0 : i32
    %scan3A_4 = arith.constant 13 : i32
    %scan3A_5 = arith.addi %scan3A_3, %scan3A_4 : i32
    %scan3A_6 = arith.constant 1 : i32
    scf.for %scan3A_8 = %scan3A_3 to %scan3A_5 step %scan3A_6  : i32 {
      %mul3A_9 = arith.constant 1024 : i32
      %mul3A_10 = arith.muli %scan3A_8, %mul3A_9 : i32
      %add3A_11 = arith.addi %mul3A_2, %mul3A_10 : i32
      "tpu.region"() ({
        %run_scoped3A = tpu.sem_alloc : memref<!tpu.dma_semaphore, #tpu.memory_space<semaphore_mem>>
        %dma_start3A_34 = tpu.memref_slice %arg2[%add3A_11] : memref<425984xi32, #tpu.memory_space<hbm>> -> memref<1024xi32, #tpu.memory_space<hbm>>
        %dma_start3A_35 = tpu.memref_slice %arg2[%add3A_11] : memref<425984xi32, #tpu.memory_space<hbm>> -> memref<1024xi32, #tpu.memory_space<hbm>>
        tpu.enqueue_dma source(%dma_start3A_35 : memref<1024xi32, #tpu.memory_space<hbm>>) target(%arg7 : memref<1024xi32, #tpu.memory_space<vmem>>) target_semaphore(%run_scoped3A : memref<!tpu.dma_semaphore, #tpu.memory_space<semaphore_mem>>)
        %dma_wait3A_36 = tpu.memref_slice %arg2[%add3A_11] : memref<425984xi32, #tpu.memory_space<hbm>> -> memref<1024xi32, #tpu.memory_space<hbm>>
        %dma_wait3A_37 = tpu.memref_slice %arg2[%add3A_11] : memref<425984xi32, #tpu.memory_space<hbm>> -> memref<1024xi32, #tpu.memory_space<hbm>>
        tpu.wait_dma2 semaphore(%run_scoped3A : memref<!tpu.dma_semaphore, #tpu.memory_space<semaphore_mem>>) src(%dma_wait3A_37 : memref<1024xi32, #tpu.memory_space<hbm>>) dst(%arg7 : memref<1024xi32, #tpu.memory_space<vmem>>)
        tpu.yield
      }) : () -> ()
      %scan3A_12 = arith.constant 0 : i32
      %scan3A_13 = arith.constant 0 : i32
      %scan3A_14 = arith.constant 64 : i32
      %scan3A_15 = arith.addi %scan3A_13, %scan3A_14 : i32
      %scan3A_16 = arith.constant 1 : i32
      scf.for %scan3A_34 = %scan3A_13 to %scan3A_15 step %scan3A_16  : i32 {
        %mul3A_35 = arith.constant 16 : i32
        %mul3A_36 = arith.muli %scan3A_34, %mul3A_35 : i32
        %get3A = arith.index_cast %mul3A_36 : i32 to index
        %get3A_37 = tpu.vector_load %arg7[%get3A] {strides = array<i32>} : memref<1024xi32, #tpu.memory_space<vmem>>, vector<16xi32>,
        %shift_right_logical3A = arith.constant 4 : i32
        %shift_right_logical3A_38 = vector.broadcast %shift_right_logical3A : i32 to vector<16xi32>
        %shift_right_logical3A_39 = arith.shrui %get3A_37, %shift_right_logical3A_38 : vector<16xi32>
        %mul3A_40 = arith.constant 16 : i32
        %mul3A_41 = arith.muli %scan3A_34, %mul3A_40 : i32
        %swap3A = arith.index_cast %mul3A_41 : i32 to index
        %swap3A_42 = tpu.vector_load %arg8[%swap3A] {strides = array<i32>} : memref<1024xi32, #tpu.memory_space<vmem>>, vector<16xi32>,
        tpu.vector_store %arg8[%swap3A], %shift_right_logical3A_39 {strides = array<i32>} : memref<1024xi32, #tpu.memory_space<vmem>>, vector<16xi32>,
        %shift_left3A = arith.constant 3 : i32
        %shift_left3A_43 = vector.broadcast %shift_left3A : i32 to vector<16xi32>
        %shift_left3A_44 = arith.shli %get3A_37, %shift_left3A_43 : vector<16xi32>
        %mul3A_45 = arith.constant 16 : i32
        %mul3A_46 = arith.muli %scan3A_34, %mul3A_45 : i32
        %swap3A_47 = arith.index_cast %mul3A_46 : i32 to index
        %swap3A_48 = tpu.vector_load %arg9[%swap3A_47] {strides = array<i32>} : memref<1024xi32, #tpu.memory_space<vmem>>, vector<16xi32>,
        tpu.vector_store %arg9[%swap3A_47], %shift_left3A_44 {strides = array<i32>} : memref<1024xi32, #tpu.memory_space<vmem>>, vector<16xi32>,
      }
      %scan3A_17 = arith.constant 64 : i32
      %dma_start3A = arith.constant 0 : i32
      %dma_start3A_18 = arith.constant 0 : i32
      %dma_start3A_19 = tpu.memref_slice %arg3[%dma_start3A, %dma_start3A_18] : memref<8000000x16xf32, #tpu.memory_space<hbm>> -> memref<8000000x16xf32, #tpu.memory_space<hbm>>
      tpu.enqueue_indirect_dma source(%dma_start3A_19 : memref<8000000x16xf32, #tpu.memory_space<hbm>>) target(%arg10 : memref<1024x16xf32, #tpu.memory_space<vmem>>) offsets(%arg9 : memref<1024xi32, #tpu.memory_space<vmem>>) semaphore(%arg13 : memref<!tpu.dma_semaphore, #tpu.memory_space<semaphore_mem>>)
      %dma_start3A_20 = arith.constant 0 : i32
      %dma_start3A_21 = arith.constant 0 : i32
      %dma_start3A_22 = tpu.memref_slice %arg4[%dma_start3A_20, %dma_start3A_21] : memref<62500x16xf32, #tpu.memory_space<hbm>> -> memref<62500x16xf32, #tpu.memory_space<hbm>>
      tpu.enqueue_indirect_dma source(%dma_start3A_22 : memref<62500x16xf32, #tpu.memory_space<hbm>>) target(%arg11 : memref<1024x16xf32, #tpu.memory_space<vmem>>) offsets(%arg8 : memref<1024xi32, #tpu.memory_space<vmem>>) semaphore(%arg14 : memref<!tpu.dma_semaphore, #tpu.memory_space<semaphore_mem>>)
      %dma_wait3A = arith.constant 0 : i32
      %dma_wait3A_23 = arith.constant 0 : i32
      %dma_wait3A_24 = tpu.memref_slice %arg3[%dma_wait3A, %dma_wait3A_23] : memref<8000000x16xf32, #tpu.memory_space<hbm>> -> memref<8000000x16xf32, #tpu.memory_space<hbm>>
      tpu.wait_indirect_dma semaphore(%arg13 : memref<!tpu.dma_semaphore, #tpu.memory_space<semaphore_mem>>) src(%dma_wait3A_24 : memref<8000000x16xf32, #tpu.memory_space<hbm>>) dst(%arg10 : memref<1024x16xf32, #tpu.memory_space<vmem>>)
      "tpu.region"() ({
        %run_scoped3A = tpu.sem_alloc : memref<!tpu.dma_semaphore, #tpu.memory_space<semaphore_mem>>
        %dma_start3A_34 = arith.constant 0 : i32
        %dma_start3A_35 = tpu.memref_slice %arg5[%add3A_11, %dma_start3A_34] : memref<425984x16xf32, #tpu.memory_space<hbm>> -> memref<1024x16xf32, #tpu.memory_space<hbm>>
        %dma_start3A_36 = arith.constant 0 : i32
        %dma_start3A_37 = tpu.memref_slice %arg5[%add3A_11, %dma_start3A_36] : memref<425984x16xf32, #tpu.memory_space<hbm>> -> memref<1024x16xf32, #tpu.memory_space<hbm>>
        tpu.enqueue_dma source(%arg10 : memref<1024x16xf32, #tpu.memory_space<vmem>>) target(%dma_start3A_37 : memref<1024x16xf32, #tpu.memory_space<hbm>>) target_semaphore(%run_scoped3A : memref<!tpu.dma_semaphore, #tpu.memory_space<semaphore_mem>>)
        %dma_wait3A_38 = arith.constant 0 : i32
        %dma_wait3A_39 = tpu.memref_slice %arg5[%add3A_11, %dma_wait3A_38] : memref<425984x16xf32, #tpu.memory_space<hbm>> -> memref<1024x16xf32, #tpu.memory_space<hbm>>
        %dma_wait3A_40 = arith.constant 0 : i32
        %dma_wait3A_41 = tpu.memref_slice %arg5[%add3A_11, %dma_wait3A_40] : memref<425984x16xf32, #tpu.memory_space<hbm>> -> memref<1024x16xf32, #tpu.memory_space<hbm>>
        tpu.wait_dma2 semaphore(%run_scoped3A : memref<!tpu.dma_semaphore, #tpu.memory_space<semaphore_mem>>) src(%arg10 : memref<1024x16xf32, #tpu.memory_space<vmem>>) dst(%dma_wait3A_41 : memref<1024x16xf32, #tpu.memory_space<hbm>>)
        tpu.yield
      }) : () -> ()
      %dma_wait3A_25 = arith.constant 0 : i32
      %dma_wait3A_26 = arith.constant 0 : i32
      %dma_wait3A_27 = tpu.memref_slice %arg4[%dma_wait3A_25, %dma_wait3A_26] : memref<62500x16xf32, #tpu.memory_space<hbm>> -> memref<62500x16xf32, #tpu.memory_space<hbm>>
      tpu.wait_indirect_dma semaphore(%arg14 : memref<!tpu.dma_semaphore, #tpu.memory_space<semaphore_mem>>) src(%dma_wait3A_27 : memref<62500x16xf32, #tpu.memory_space<hbm>>) dst(%arg11 : memref<1024x16xf32, #tpu.memory_space<vmem>>)
      %scan3A_28 = arith.constant 0 : i32
      %scan3A_29 = arith.constant 0 : i32
      %scan3A_30 = arith.constant 64 : i32
      %scan3A_31 = arith.addi %scan3A_29, %scan3A_30 : i32
      %scan3A_32 = arith.constant 1 : i32
      scf.for %scan3A_34 = %scan3A_29 to %scan3A_31 step %scan3A_32  : i32 {
        %mul3A_35 = arith.constant 16 : i32
        %mul3A_36 = arith.muli %scan3A_34, %mul3A_35 : i32
        %get3A = arith.index_cast %mul3A_36 : i32 to index
        %get3A_37 = tpu.vector_load %arg7[%get3A] {strides = array<i32>} : memref<1024xi32, #tpu.memory_space<vmem>>, vector<16xi32>,
        %and3A = arith.constant 15 : i32
        %and3A_38 = vector.broadcast %and3A : i32 to vector<16xi32>
        %and3A_39 = arith.andi %get3A_37, %and3A_38 : vector<16xi32>
        %iota3A = tpu.iota {dimensions = array<i32: 0>} : vector<16xi32>
        %mul3A_40 = arith.constant 16 : i32
        %mul3A_41 = arith.muli %scan3A_34, %mul3A_40 : i32
        %add3A_42 = vector.broadcast %mul3A_41 : i32 to vector<16xi32>
        %add3A_43 = arith.addi %iota3A, %add3A_42 : vector<16xi32>
        %gather3A = tpu.vector_load_idx %arg11[%add3A_43, %and3A_39] : memref<1024x16xf32, #tpu.memory_space<vmem>>[vector<16xi32>, vector<16xi32>], vector<16xf32>,
        %mul3A_44 = arith.constant 16 : i32
        %mul3A_45 = arith.muli %scan3A_34, %mul3A_44 : i32
        %swap3A = arith.index_cast %mul3A_45 : i32 to index
        %swap3A_46 = tpu.vector_load %arg12[%swap3A] {strides = array<i32>} : memref<1024xf32, #tpu.memory_space<vmem>>, vector<16xf32>,
        tpu.vector_store %arg12[%swap3A], %gather3A {strides = array<i32>} : memref<1024xf32, #tpu.memory_space<vmem>>, vector<16xf32>,
      }
      %scan3A_33 = arith.constant 64 : i32
      "tpu.region"() ({
        %run_scoped3A = tpu.sem_alloc : memref<!tpu.dma_semaphore, #tpu.memory_space<semaphore_mem>>
        %dma_start3A_34 = tpu.memref_slice %arg6[%add3A_11] : memref<425984xf32, #tpu.memory_space<hbm>> -> memref<1024xf32, #tpu.memory_space<hbm>>
        %dma_start3A_35 = tpu.memref_slice %arg6[%add3A_11] : memref<425984xf32, #tpu.memory_space<hbm>> -> memref<1024xf32, #tpu.memory_space<hbm>>
        tpu.enqueue_dma source(%arg12 : memref<1024xf32, #tpu.memory_space<vmem>>) target(%dma_start3A_35 : memref<1024xf32, #tpu.memory_space<hbm>>) target_semaphore(%run_scoped3A : memref<!tpu.dma_semaphore, #tpu.memory_space<semaphore_mem>>)
        %dma_wait3A_36 = tpu.memref_slice %arg6[%add3A_11] : memref<425984xf32, #tpu.memory_space<hbm>> -> memref<1024xf32, #tpu.memory_space<hbm>>
        %dma_wait3A_37 = tpu.memref_slice %arg6[%add3A_11] : memref<425984xf32, #tpu.memory_space<hbm>> -> memref<1024xf32, #tpu.memory_space<hbm>>
        tpu.wait_dma2 semaphore(%run_scoped3A : memref<!tpu.dma_semaphore, #tpu.memory_space<semaphore_mem>>) src(%arg12 : memref<1024xf32, #tpu.memory_space<vmem>>) dst(%dma_wait3A_37 : memref<1024xf32, #tpu.memory_space<hbm>>)
        tpu.yield
      }) : () -> ()
    }
    %scan3A_7 = arith.constant 13 : i32
    return
  }
}

module attributes {stable_mosaic.version = 14 : i64} {
  func.func @_padlin_body(%arg0: i32, %arg1: memref<16x8192xf32, #tpu.memory_space<vmem>>, %arg2: memref<8192x128xf32, #tpu.memory_space<vmem>>) attributes {dimension_semantics = [#tpu.dimension_semantics<arbitrary>], iteration_bounds = array<i64: 123>, scalar_prefetch = 0 : i64, scratch_operands = 0 : i64, tpu.core_type = #tpu.core_type<tc>, window_params = [{transform_indices = @transform_0, window_bounds = array<i64: 16, 8192>}, {transform_indices = @transform_1, window_bounds = array<i64: 8192, 128>}]} {
    %get3A = arith.constant 0 : index
    %get3A_0 = arith.constant 0 : index
    %get3A_1 = vector.load %arg1[%get3A, %get3A_0] : memref<16x8192xf32, #tpu.memory_space<vmem>>, vector<16x8192xf32>
    %transpose3A = tpu.transpose %get3A_1, [1, 0] : vector<16x8192xf32> -> vector<8192x16xf32>
    %swap3A = arith.constant 0 : index
    %swap3A_2 = arith.constant 0 : index
    %swap3A_3 = vector.load %arg2[%swap3A, %swap3A_2] : memref<8192x128xf32, #tpu.memory_space<vmem>>, vector<8192x16xf32>
    tpu.vector_store %arg2[%swap3A, %swap3A_2], %transpose3A {strides = array<i32>} : memref<8192x128xf32, #tpu.memory_space<vmem>>, vector<8192x16xf32>,
    return
  }
  func.func @transform_0(%arg0: i32) -> (i32, i32) {
    %c0_i32 = arith.constant 0 : i32
    %c0_i32_0 = arith.constant 0 : i32
    return %c0_i32, %arg0 : i32, i32
  }
  func.func @transform_1(%arg0: i32) -> (i32, i32) {
    %c0_i32 = arith.constant 0 : i32
    %c0_i32_0 = arith.constant 0 : i32
    return %arg0, %c0_i32 : i32, i32
  }
}

module attributes {stable_mosaic.version = 14 : i64} {
  func.func @_tc_body(%arg0: i32, %arg1: memref<1024x416xf32, #tpu.memory_space<vmem>>, %arg2: memref<1024x26xf32, #tpu.memory_space<vmem>>, %arg3: memref<16x416xf32, #tpu.memory_space<vmem>>, %arg4: memref<1x16xf32, #tpu.memory_space<vmem>>, %arg5: memref<16x16xf32, #tpu.memory_space<vmem>>, %arg6: memref<1x16xf32, #tpu.memory_space<vmem>>, %arg7: memref<16x16xf32, #tpu.memory_space<vmem>>, %arg8: memref<1x16xf32, #tpu.memory_space<vmem>>, %arg9: memref<1x16xf32, #tpu.memory_space<vmem>>, %arg10: memref<1x1xf32, #tpu.memory_space<vmem>>, %arg11: memref<1024x1xf32, #tpu.memory_space<vmem>>) attributes {dimension_semantics = [#tpu.dimension_semantics<arbitrary>], iteration_bounds = array<i64: 16>, scalar_prefetch = 0 : i64, scratch_operands = 0 : i64, tpu.core_type = #tpu.core_type<tc>, window_params = [{transform_indices = @transform_0, window_bounds = array<i64: 1024, 416>}, {transform_indices = @transform_1, window_bounds = array<i64: 1024, 26>}, {pipeline_mode = #tpu.pipeline_mode<synchronous>, transform_indices = @transform_2, window_bounds = array<i64: 16, 416>}, {pipeline_mode = #tpu.pipeline_mode<synchronous>, transform_indices = @transform_3, window_bounds = array<i64: 1, 16>}, {pipeline_mode = #tpu.pipeline_mode<synchronous>, transform_indices = @transform_4, window_bounds = array<i64: 16, 16>}, {pipeline_mode = #tpu.pipeline_mode<synchronous>, transform_indices = @transform_5, window_bounds = array<i64: 1, 16>}, {pipeline_mode = #tpu.pipeline_mode<synchronous>, transform_indices = @transform_6, window_bounds = array<i64: 16, 16>}, {pipeline_mode = #tpu.pipeline_mode<synchronous>, transform_indices = @transform_7, window_bounds = array<i64: 1, 16>}, {pipeline_mode = #tpu.pipeline_mode<synchronous>, transform_indices = @transform_8, window_bounds = array<i64: 1, 16>}, {pipeline_mode = #tpu.pipeline_mode<synchronous>, transform_indices = @transform_9, window_bounds = array<i64: 1, 1>}, {transform_indices = @transform_10, window_bounds = array<i64: 1024, 1>}]} {
    %get3A = arith.constant 0 : index
    %get3A_0 = arith.constant 0 : index
    %get3A_1 = vector.load %arg1[%get3A, %get3A_0] : memref<1024x416xf32, #tpu.memory_space<vmem>>, vector<1024x416xf32>
    %iota3A = tpu.iota {dimensions = array<i32: 0>} : vector<416x16xi32>
    %jit3A = arith.constant 16 : i32
    %eq3A = arith.constant 0 : i32
    %eq3A_2 = arith.cmpi eq, %jit3A, %eq3A : i32
    %jit3A_3 = arith.constant 1 : i32
    %select_n3A = arith.select %eq3A_2, %jit3A_3, %jit3A : i32
    %rem3A = vector.broadcast %select_n3A : i32 to vector<416x16xi32>
    %rem3A_4 = arith.remsi %iota3A, %rem3A : vector<416x16xi32>
    %ne3A = arith.constant 0 : i32
    %ne3A_5 = vector.broadcast %ne3A : i32 to vector<416x16xi32>
    %ne3A_6 = arith.cmpi ne, %rem3A_4, %ne3A_5 : vector<416x16xi32>
    %lt3A = arith.constant 0 : i32
    %lt3A_7 = vector.broadcast %lt3A : i32 to vector<416x16xi32>
    %lt3A_8 = arith.cmpi slt, %rem3A_4, %lt3A_7 : vector<416x16xi32>
    %lt3A_9 = arith.constant 0 : i32
    %lt3A_10 = arith.cmpi slt, %select_n3A, %lt3A_9 : i32
    %ne3A_11 = vector.broadcast %lt3A_10 : i1 to vector<416x16xi1>
    %ne3A_12 = vector.broadcast %ne3A_11 : vector<416x16xi1> to vector<416x16xi1>
    %ne3A_13 = arith.xori %lt3A_8, %ne3A_12 : vector<416x16xi1>
    %and3A = arith.andi %ne3A_13, %ne3A_6 : vector<416x16xi1>
    %add3A = vector.broadcast %select_n3A : i32 to vector<416x16xi32>
    %add3A_14 = arith.addi %rem3A_4, %add3A : vector<416x16xi32>
    %select_n3A_15 = arith.select %and3A, %add3A_14, %rem3A_4 : vector<416x16xi1>, vector<416x16xi32>
    %iota3A_16 = tpu.iota {dimensions = array<i32: 1>} : vector<416x16xi32>
    %eq3A_17 = arith.cmpi eq, %select_n3A_15, %iota3A_16 : vector<416x16xi32>
    %convert_element_type3A = arith.extui %eq3A_17 : vector<416x16xi1> to vector<416x16xi32>
    %convert_element_type3A_18 = arith.sitofp %convert_element_type3A : vector<416x16xi32> to vector<416x16xf32>
    %dot_general3A = arith.constant dense<0.000000e+00> : vector<1024x16xf32>
    %dot_general3A_19 = tpu.matmul %get3A_1, %convert_element_type3A_18, %dot_general3A {dimension_numbers = #tpu.dot_dimension_numbers<[1], [0], [0], [1], [0, 0, 1, 1], [], []>, transpose_lhs_hint = false} : vector<1024x416xf32>, vector<416x16xf32>, vector<1024x16xf32> -> vector<1024x16xf32>
    %mul3A = arith.mulf %get3A_1, %get3A_1 : vector<1024x416xf32>
    %dot_general3A_20 = arith.constant dense<0.000000e+00> : vector<1024x16xf32>
    %dot_general3A_21 = tpu.matmul %mul3A, %convert_element_type3A_18, %dot_general3A_20 {dimension_numbers = #tpu.dot_dimension_numbers<[1], [0], [0], [1], [0, 0, 1, 1], [], []>, transpose_lhs_hint = false} : vector<1024x416xf32>, vector<416x16xf32>, vector<1024x16xf32> -> vector<1024x16xf32>
    %mul3A_22 = arith.mulf %dot_general3A_19, %dot_general3A_19 : vector<1024x16xf32>
    %sub3A = arith.subf %mul3A_22, %dot_general3A_21 : vector<1024x16xf32>
    %reduce_sum3A = arith.constant dense<0.000000e+00> : vector<1024xf32>
    %reduce_sum3A_23 = vector.multi_reduction <add>, %sub3A, %reduce_sum3A [1] : vector<1024x16xf32> to vector<1024xf32>
    %broadcast_in_dim3A = vector.shape_cast %reduce_sum3A_23 : vector<1024xf32> to vector<1024x1xf32>
    %mul3A_24 = arith.constant 5.000000e-01 : f32
    %mul3A_25 = vector.broadcast %mul3A_24 : f32 to vector<1024x1xf32>
    %mul3A_26 = arith.mulf %mul3A_25, %broadcast_in_dim3A : vector<1024x1xf32>
    %get3A_27 = arith.constant 0 : index
    %get3A_28 = arith.constant 0 : index
    %get3A_29 = vector.load %arg2[%get3A_27, %get3A_28] : memref<1024x26xf32, #tpu.memory_space<vmem>>, vector<1024x26xf32>
    %reduce_sum3A_30 = arith.constant dense<0.000000e+00> : vector<1024xf32>
    %reduce_sum3A_31 = vector.multi_reduction <add>, %get3A_29, %reduce_sum3A_30 [1] : vector<1024x26xf32> to vector<1024xf32>
    %broadcast_in_dim3A_32 = vector.shape_cast %reduce_sum3A_31 : vector<1024xf32> to vector<1024x1xf32>
    %get3A_33 = arith.constant 0 : index
    %get3A_34 = arith.constant 0 : index
    %get3A_35 = vector.load %arg3[%get3A_33, %get3A_34] : memref<16x416xf32, #tpu.memory_space<vmem>>, vector<16x416xf32>
    %dot_general3A_36 = arith.constant dense<0.000000e+00> : vector<1024x16xf32>
    %dot_general3A_37 = tpu.matmul %get3A_1, %get3A_35, %dot_general3A_36 {dimension_numbers = #tpu.dot_dimension_numbers<[1], [1], [0], [0], [0, 0, 1, 0], [], []>, transpose_lhs_hint = false} : vector<1024x416xf32>, vector<16x416xf32>, vector<1024x16xf32> -> vector<1024x16xf32>
    %get3A_38 = arith.constant 0 : index
    %get3A_39 = arith.constant 0 : index
    %get3A_40 = vector.load %arg4[%get3A_38, %get3A_39] : memref<1x16xf32, #tpu.memory_space<vmem>>, vector<1x16xf32>
    %add3A_41 = vector.broadcast %get3A_40 : vector<1x16xf32> to vector<1024x16xf32>
    %add3A_42 = arith.addf %dot_general3A_37, %add3A_41 : vector<1024x16xf32>
    %max3A = arith.constant 0.000000e+00 : f32
    %max3A_43 = vector.broadcast %max3A : f32 to vector<1024x16xf32>
    %max3A_44 = arith.maximumf %add3A_42, %max3A_43 : vector<1024x16xf32>
    %get3A_45 = arith.constant 0 : index
    %get3A_46 = arith.constant 0 : index
    %get3A_47 = vector.load %arg5[%get3A_45, %get3A_46] : memref<16x16xf32, #tpu.memory_space<vmem>>, vector<16x16xf32>
    %dot_general3A_48 = arith.constant dense<0.000000e+00> : vector<1024x16xf32>
    %dot_general3A_49 = tpu.matmul %max3A_44, %get3A_47, %dot_general3A_48 {dimension_numbers = #tpu.dot_dimension_numbers<[1], [1], [0], [0], [0, 0, 1, 0], [], []>, transpose_lhs_hint = false} : vector<1024x16xf32>, vector<16x16xf32>, vector<1024x16xf32> -> vector<1024x16xf32>
    %get3A_50 = arith.constant 0 : index
    %get3A_51 = arith.constant 0 : index
    %get3A_52 = vector.load %arg6[%get3A_50, %get3A_51] : memref<1x16xf32, #tpu.memory_space<vmem>>, vector<1x16xf32>
    %add3A_53 = vector.broadcast %get3A_52 : vector<1x16xf32> to vector<1024x16xf32>
    %add3A_54 = arith.addf %dot_general3A_49, %add3A_53 : vector<1024x16xf32>
    %max3A_55 = arith.constant 0.000000e+00 : f32
    %max3A_56 = vector.broadcast %max3A_55 : f32 to vector<1024x16xf32>
    %max3A_57 = arith.maximumf %add3A_54, %max3A_56 : vector<1024x16xf32>
    %get3A_58 = arith.constant 0 : index
    %get3A_59 = arith.constant 0 : index
    %get3A_60 = vector.load %arg7[%get3A_58, %get3A_59] : memref<16x16xf32, #tpu.memory_space<vmem>>, vector<16x16xf32>
    %dot_general3A_61 = arith.constant dense<0.000000e+00> : vector<1024x16xf32>
    %dot_general3A_62 = tpu.matmul %max3A_57, %get3A_60, %dot_general3A_61 {dimension_numbers = #tpu.dot_dimension_numbers<[1], [1], [0], [0], [0, 0, 1, 0], [], []>, transpose_lhs_hint = false} : vector<1024x16xf32>, vector<16x16xf32>, vector<1024x16xf32> -> vector<1024x16xf32>
    %get3A_63 = arith.constant 0 : index
    %get3A_64 = arith.constant 0 : index
    %get3A_65 = vector.load %arg8[%get3A_63, %get3A_64] : memref<1x16xf32, #tpu.memory_space<vmem>>, vector<1x16xf32>
    %add3A_66 = vector.broadcast %get3A_65 : vector<1x16xf32> to vector<1024x16xf32>
    %add3A_67 = arith.addf %dot_general3A_62, %add3A_66 : vector<1024x16xf32>
    %max3A_68 = arith.constant 0.000000e+00 : f32
    %max3A_69 = vector.broadcast %max3A_68 : f32 to vector<1024x16xf32>
    %max3A_70 = arith.maximumf %add3A_67, %max3A_69 : vector<1024x16xf32>
    %get3A_71 = arith.constant 0 : index
    %get3A_72 = arith.constant 0 : index
    %get3A_73 = vector.load %arg9[%get3A_71, %get3A_72] : memref<1x16xf32, #tpu.memory_space<vmem>>, vector<1x16xf32>
    %dot_general3A_74 = arith.constant dense<0.000000e+00> : vector<1024x1xf32>
    %dot_general3A_75 = tpu.matmul %max3A_70, %get3A_73, %dot_general3A_74 {dimension_numbers = #tpu.dot_dimension_numbers<[1], [1], [0], [0], [0, 0, 1, 0], [], []>, transpose_lhs_hint = false} : vector<1024x16xf32>, vector<1x16xf32>, vector<1024x1xf32> -> vector<1024x1xf32>
    %add3A_76 = arith.addf %mul3A_26, %broadcast_in_dim3A_32 : vector<1024x1xf32>
    %add3A_77 = arith.addf %add3A_76, %dot_general3A_75 : vector<1024x1xf32>
    %get3A_78 = arith.constant 0 : index
    %get3A_79 = arith.constant 0 : index
    %get3A_80 = vector.load %arg10[%get3A_78, %get3A_79] : memref<1x1xf32, #tpu.memory_space<vmem>>, vector<1x1xf32>
    %add3A_81 = vector.broadcast %get3A_80 : vector<1x1xf32> to vector<1024x1xf32>
    %add3A_82 = arith.addf %add3A_77, %add3A_81 : vector<1024x1xf32>
    %swap3A = arith.constant 0 : index
    %swap3A_83 = arith.constant 0 : index
    %swap3A_84 = vector.load %arg11[%swap3A, %swap3A_83] : memref<1024x1xf32, #tpu.memory_space<vmem>>, vector<1024x1xf32>
    tpu.vector_store %arg11[%swap3A, %swap3A_83], %add3A_82 {strides = array<i32>} : memref<1024x1xf32, #tpu.memory_space<vmem>>, vector<1024x1xf32>,
    return
  }
  func.func @transform_0(%arg0: i32) -> (i32, i32) {
    %c0_i32 = arith.constant 0 : i32
    %c0_i32_0 = arith.constant 0 : i32
    return %arg0, %c0_i32 : i32, i32
  }
  func.func @transform_1(%arg0: i32) -> (i32, i32) {
    %c0_i32 = arith.constant 0 : i32
    %c0_i32_0 = arith.constant 0 : i32
    return %arg0, %c0_i32 : i32, i32
  }
  func.func @transform_2(%arg0: i32) -> (i32, i32) {
    %c0_i32 = arith.constant 0 : i32
    %c0_i32_0 = arith.constant 0 : i32
    %c0_i32_1 = arith.constant 0 : i32
    return %c0_i32, %c0_i32_0 : i32, i32
  }
  func.func @transform_3(%arg0: i32) -> (i32, i32) {
    %c0_i32 = arith.constant 0 : i32
    %c0_i32_0 = arith.constant 0 : i32
    %c0_i32_1 = arith.constant 0 : i32
    return %c0_i32, %c0_i32_0 : i32, i32
  }
  func.func @transform_4(%arg0: i32) -> (i32, i32) {
    %c0_i32 = arith.constant 0 : i32
    %c0_i32_0 = arith.constant 0 : i32
    %c0_i32_1 = arith.constant 0 : i32
    return %c0_i32, %c0_i32_0 : i32, i32
  }
  func.func @transform_5(%arg0: i32) -> (i32, i32) {
    %c0_i32 = arith.constant 0 : i32
    %c0_i32_0 = arith.constant 0 : i32
    %c0_i32_1 = arith.constant 0 : i32
    return %c0_i32, %c0_i32_0 : i32, i32
  }
  func.func @transform_6(%arg0: i32) -> (i32, i32) {
    %c0_i32 = arith.constant 0 : i32
    %c0_i32_0 = arith.constant 0 : i32
    %c0_i32_1 = arith.constant 0 : i32
    return %c0_i32, %c0_i32_0 : i32, i32
  }
  func.func @transform_7(%arg0: i32) -> (i32, i32) {
    %c0_i32 = arith.constant 0 : i32
    %c0_i32_0 = arith.constant 0 : i32
    %c0_i32_1 = arith.constant 0 : i32
    return %c0_i32, %c0_i32_0 : i32, i32
  }
  func.func @transform_8(%arg0: i32) -> (i32, i32) {
    %c0_i32 = arith.constant 0 : i32
    %c0_i32_0 = arith.constant 0 : i32
    %c0_i32_1 = arith.constant 0 : i32
    return %c0_i32, %c0_i32_0 : i32, i32
  }
  func.func @transform_9(%arg0: i32) -> (i32, i32) {
    %c0_i32 = arith.constant 0 : i32
    %c0_i32_0 = arith.constant 0 : i32
    %c0_i32_1 = arith.constant 0 : i32
    return %c0_i32, %c0_i32_0 : i32, i32
  }
  func.func @transform_10(%arg0: i32) -> (i32, i32) {
    %c0_i32 = arith.constant 0 : i32
    %c0_i32_0 = arith.constant 0 : i32
    return %arg0, %c0_i32 : i32, i32
  }
}

</mosaic_0001>

<sc_bundles>
// kernel: kernel.5.cloned.1.call-start
scs
__scs_entry_jumppad:
0x0: {  	(pc) =	sbr.rel $0x88, $3  }
0x1: {  	(tag) =	ssettag $0x0;
	lr =	simm.s32 $0x1  }
0x2: {  	[smem:$0x3F96] =	sst lr;
	_ =	strace $0xD0000000  }
0x3: {  	_ = 	snop  }
0x4: {  	_ = 	snop  }
0x5: {  	_ = 	snop  }
0x6: {  	_ = 	snop  }
0x7: {  	_ = 	snop  }
__scs_overlays_trampoline_lowered:
0x8: {  	[smem:$0x3FA5] =	sst s0  }
0x9: {  	[smem:$0x3FA6] =	sst s1  }
0xa: {  	[smem:$0x3FA7] =	sst s2  }
0xb: {  	[smem:$0x3FA8] =	sst s3  }
0xc: {  	[smem:$0x3FA9] =	sst s4  }
0xd: {  	[smem:$0x3FAA] =	sst s5  }
0xe: {  	[smem:$0x3FAB] =	sst s6  }
0xf: {  	[smem:$0x3FAC] =	sst s7  }
0x10: {  	[smem:$0x3FAD] =	sst s8  }
0x11: {  	[smem:$0x3FAE] =	sst s9;
	s0 =	simm.s32 @!p0 $0x0  }
0x12: {  	s1 =	sld [smem:$0x3F94];
	s0 =	simm.s32 @p0 $0x1  }
0x13: {  	[smem:$0x3FAF] =	sst s0;
	s0 =	simm.s32 @!p1 $0x0  }
0x14: {  	s2 =	sld [smem:$0x3F93];
	s0 =	simm.s32 @p1 $0x1  }
0x15: {  	[smem:$0x3FB0] =	sst s0;
	s0 =	simm.s32 @!p2 $0x0  }
0x16: {  	s3 =	sld [smem:$0x3FDB];
	s0 =	simm.s32 @p2 $0x1  }
0x17: {  	s4 =	simm.s32 $0x1BF5;
	[smem:$0x3FB2] =	sst s0  }
0x18: {  	s0 =	sld [smem:$0x3F95];
	_ =	swait.ge [sflag:s4], $0x0  }
0x19: {  	s7 =	sld [smem:$0x3F96]  }
0x1a: {  	s8 =	sadd.s32 $0xFFFFE003, lr  }
0x1b: {  	s9 =	sadd.s32 $0xFFFFFEF7, lr;
	s5 =	simm.s32 $0xFFFFFFFF;
	p2 =	slt.u32 s8, $0xFFFFF086  }
0x1c: {  	p1 =	slt.u32 s9, $0xF7A;
	s5 =	simm.s32 @!p2 $0x0  }
0x1d: {  	s5 =	simm.s32 @p1 $0x1;
	p0 =	seq.s32 s7, s2  }
0x1e: {  	s7 =	smul.u32 @!p0 $0xF7A, s2;
	p2 =	seq.s32 @!p0 s5, $0x0  }
0x1f: {  	s9 =	smul.u32 $0xF7A, s1;
	s8 =	simm.s32 @!p0 $0x1BF5;
	p2 =	por !p2, p0  }
0x20: {  	[sflag:s8] =	ssyncset.s32 @!p0 $0xFFFFF086;
	s6 =	sadd.s32 @!p0 s3, s7;
	s7 =	simm.s32 @!p0 $0x108  }
0x21: {  	s3 =	sadd.s32 s3, s9;
	s6 =	sadd.s32 @!p0 $0x88, s6;
	s7 =	simm.s32 @p2 $0x1082  }
0x22: {  	[simem:s7], [sflag:s8] =	dma.local @!p0 [hbm:s6], $0xF7A  }
0x23: {  	s9 =	sor.u32 $0xD0000000, s2;
	s6 =	simm.s32 $0x108;
	_ =	swait.ge @!p0 [sflag:s8], $0x0  }
0x24: {  	s3 =	sadd.s32 $0x88, s3;
	s6 =	simm.s32 @!p1 $0x1082;
	[sflag:s4] =	ssyncset.s32 $0xFFFFF086  }
0x25: {  	[simem:s6], [sflag:s4] =	dma.local [hbm:s3], $0xF7A  }
0x26: {  	[smem:$0x3F96] =	sst s1;
	(tag) =	ssettag s2;
	_ =	strace s9  }
0x27: {  	s1 =	sld [smem:$0x3FA6]  }
0x28: {  	s2 =	sld [smem:$0x3FA7]  }
0x29: {  	s4 =	sld [smem:$0x3FA9]  }
0x2a: {  	p0 =	seq.s32 s5, $0x0;
	s5 =	sld [smem:$0x3FAA]  }
0x2b: {  	s6 =	sld [smem:$0x3FAB]  }
0x2c: {  	s7 =	sld [smem:$0x3FAC]  }
0x2d: {  	s3 =	simm.s32 $0x108;
	s8 =	sld [smem:$0x3FAD]  }
0x2e: {  	s3 =	simm.s32 @!p0 $0x1082;
	s9 =	sld [smem:$0x3FAE]  }
0x2f: {  	lr =	sadd.s32 s0, s3;
	s0 =	sld [smem:$0x3FA5]  }
0x30: {  	s3 =	sld [smem:$0x3FA8]  }
0x31: {  	[smem:$0x3FB1] =	sst s10  }
0x32: {  	s10 =	sld [smem:$0x3FAF];
	_ =	sdelay $0x3  }
0x33: {  	p0 =	seq.s32 s10, $0x1;
	s10 =	sld [smem:$0x3FB1];
	_ =	sdelay $0x3  }
0x34: {  	[smem:$0x3FB1] =	sst s10  }
0x35: {  	s10 =	sld [smem:$0x3FB0];
	_ =	sdelay $0x3  }
0x36: {  	p1 =	seq.s32 s10, $0x1;
	s10 =	sld [smem:$0x3FB1];
	_ =	sdelay $0x3  }
0x37: {  	[smem:$0x3FB1] =	sst s10  }
0x38: {  	s10 =	sld [smem:$0x3FB2]  }
0x39: {  	_ = 	snop;
	(pc) =	sbr.ind lr, $3  }
0x3a: {  	_ = 	snop  }
0x3b: {  	_ = 	snop  }
0x3c: {  	p2 =	seq.s32 s10, $0x1;
	s10 =	sld [smem:$0x3FB1]  }
0x3d: {  	_ =	shalt  }
0x3e: {  	_ =	shalt  }
0x3f: {  	_ =	shalt  }
0x40: {  	_ =	shalt  }
0x41: {  	_ =	shalt  }
0x42: {  	_ =	shalt  }
0x43: {  	_ =	shalt  }
0x44: {  	_ =	shalt  }
0x45: {  	_ =	shalt  }
0x46: {  	_ =	shalt  }
0x47: {  	_ =	shalt  }
0x48: {  	_ =	shalt  }
0x49: {  	_ =	shalt  }
0x4a: {  	_ =	shalt  }
0x4b: {  	_ =	shalt  }
0x4c: {  	_ =	shalt  }
0x4d: {  	_ =	shalt  }
0x4e: {  	_ =	shalt  }
0x4f: {  	_ =	shalt  }
0x50: {  	_ =	shalt  }
0x51: {  	_ =	shalt  }
0x52: {  	_ =	shalt  }
0x53: {  	_ =	shalt  }
0x54: {  	_ =	shalt  }
0x55: {  	_ =	shalt  }
0x56: {  	_ =	shalt  }
0x57: {  	_ =	shalt  }
0x58: {  	_ =	shalt  }
0x59: {  	_ =	shalt  }
0x5a: {  	_ =	shalt  }
0x5b: {  	_ =	shalt  }
0x5c: {  	_ =	shalt  }
0x5d: {  	_ =	shalt  }
0x5e: {  	_ =	shalt  }
0x5f: {  	_ =	shalt  }
0x60: {  	_ =	shalt  }
0x61: {  	_ =	shalt  }
0x62: {  	_ =	shalt  }
0x63: {  	_ =	shalt  }
0x64: {  	_ =	shalt  }
0x65: {  	_ =	shalt  }
0x66: {  	_ =	shalt  }
0x67: {  	_ =	shalt  }
0x68: {  	_ =	shalt  }
0x69: {  	_ =	shalt  }
0x6a: {  	_ =	shalt  }
0x6b: {  	_ =	shalt  }
0x6c: {  	_ =	shalt  }
0x6d: {  	_ =	shalt  }
0x6e: {  	_ =	shalt  }
0x6f: {  	_ =	shalt  }
0x70: {  	_ =	shalt  }
0x71: {  	_ =	shalt  }
0x72: {  	_ =	shalt  }
0x73: {  	_ =	shalt  }
0x74: {  	_ =	shalt  }
0x75: {  	_ =	shalt  }
0x76: {  	_ =	shalt  }
0x77: {  	_ =	shalt  }
0x78: {  	_ =	shalt  }
0x79: {  	_ =	shalt  }
0x7a: {  	_ =	shalt  }
0x7b: {  	_ =	shalt  }
0x7c: {  	_ =	shalt  }
0x7d: {  	_ =	shalt  }
0x7e: {  	_ =	shalt  }
0x7f: {  	_ =	shalt  }
0x80: {  	_ =	shalt  }
0x81: {  	_ =	shalt  }
0x82: {  	_ =	shalt  }
0x83: {  	_ =	shalt  }
0x84: {  	_ =	shalt  }
0x85: {  	_ =	shalt  }
0x86: {  	_ =	shalt  }
0x87: {  	_ =	shalt  }
.Lfunc_end0:
.L_simem_size_0:
called_computation_lowered:
.L_overlay_start_0:
0x88: {  	s2 =	sld [smem:$0x3FD9]  }
0x89: {  	s3 =	sld [smem:$0x3FFE];
	_ =	sdelay $0x1  }
0x8a: {  	s1 =	srdreg.scid  }
0x8b: {  	s0 =	sand.u32 $0x1, s1  }
0x8c: {  	s16 =	sshll.u32 s0, $0xA;
	s2 =	sadd.s32 s3, s2  }
0x8d: {  	s2 =	sadd.s32 s2, s16  }
0x8e: {  	[smem:$0x3FBD] =	sst s2  }
0x8f: {  	_ = 	snop  }
0x90: {  	(tm) =	ssettm $0x1  }
0x91: {  	s17 =	sld [smem:$0x3FFB];
	_ =	sdelay $0x3  }
0x92: {  	_ =	strace s17  }
0x93: {  	s2 =	sld [smem:$0x3FFC];
	_ =	sdelay $0x3  }
0x94: {  	_ =	strace s2  }
0x95: {  	s2 =	sld [smem:$0x3FFD];
	_ =	sdelay $0x3  }
0x96: {  	_ =	strace s2  }
0x97: {  	_ =	strace $0x8FFFFFFF  }
0x98: {  	s18 =	sld [smem:$0x3FDB];
	_ =	sdelay $0x1  }
0x99: {  	s19 =	simm.s32 $_scs_section_size  }
0x9a: {  	s4 =	simm.s32 $_size__tile_overlayer_lowered;
	s5 =	simm.s32 $_tile_overlayer_lowered  }
0x9b: {  	s22 =	simm.s32 $0x1BFF;
	s21 =	sshll.u32 s5, $0x1;
	s2 =	sadd.s32 s19, s18  }
0x9c: {  	s6 =	simm.s32 $0x0;
	s20 =	sshll.u32 s4, $0x1;
	s4 =	sadd.s32 s21, s2  }
0x9d: {  	[timem:s6], [sflag:s22] =	dma.local [hbm:s4], s20  }
0x9e: {  	_ =	swait.ge [sflag:s22], s20  }
0x9f: {  	s3 =	ssub.s32 $0x0, s20;
	[sflag:s22] =	ssyncset.done $0x0  }
0xa0: {  	[sflag:s22] =	ssyncadd.s32 s3;
	_ =	sdelay $0x1  }
0xa1: {  	s23 =	simm.s32 $0x1B8B  }
0xa2: {  	_ =	swait.ge [sflag:s23], $0x1  }
0xa3: {  	[sflag:s23] =	ssyncset.done $0x0  }
0xa4: {  	s25 =	simm.s32 $0x1B8E;
	s24 =	sld [smem:$0x3FFE];
	[sflag:s23] =	ssyncadd.s32 $0xFFFFFFFF  }
0xa5: {  	s26 =	simm.s32 $execute0_lowered;
	[smem:$0x3FD2] =	sst s25  }
0xa6: {  	s4 =	sshll.u32 s26, $0x1;
	_ =	strace $0x80000046;
	[dreg:$0x1] =	wrdreg $0xFFFFFFFF  }
0xa7: {  	s28 =	simm.s32 $_size_execute0_lowered;
	s2 =	sadd.s32 s2, s4;
	[dreg:$0x0] =	wrdreg $0x0  }
0xa8: {  	s4 =	sshll.u32 s28, $0x1;
	[dreg:$0x2] =	wrdreg s2  }
0xa9: {  	[dreg:$0x3] =	wrdreg s4  }
0xaa: {  	[dreg:$0x4] =	wrdreg $0xC0  }
0xab: {  	_ =	task [dreg:s6], $0x5FFFF  }
0xac: {  	[dreg:$0x1] =	wrdreg $0xFFFFFFFF  }
0xad: {  	[dreg:$0x0] =	wrdreg $0x60  }
0xae: {  	[dreg:$0x2] =	wrdreg s24  }
0xaf: {  	[dreg:$0x3] =	wrdreg $0x9  }
0xb0: {  	_ =	task.clear_ibuf [dreg:s6], $0x4FFFF;
	_ =	strace $0x90000046  }
0xb1: {  	s29 =	simm.s32 $0x9;
	_ =	strace $0x80000048  }
0xb2: {  	_ =	swait.ge [sflag:s29], $0x1  }
0xb3: {  	[sflag:s29] =	ssyncadd.s32 $0xFFFFFFFF  }
0xb4: {  	_ =	strace $0x90000048  }
0xb5: {  	_ =	sfence  }
0xb6: {  	s30 =	sld [smem:$0x0];
	_ =	sdelay $0x2  }
0xb7: {  	s31 =	sshll.u32 s1, $0xD;
	s1 =	sshrl.u32 s1, $0x2  }
0xb8: {  	s3 =	sand.u32 $0x4000, s31;
	s1 =	sadd.s32 s1, s30  }
0xb9: {  	s0 =	sor.u32 s3, s0;
	s1 =	sshll.u32 s1, $0x11  }
0xba: {  	s0 =	sor.u32 s1, s0  }
0xbb: {  	s0 =	sadd.s32 $0x8F2B, s0  }
0xbc: {  	[sflag:s0] =	ssyncadd.remote.s32 $0x1  }
0xbd: {  	_ =	sfence.sel $0xFFFF  }
0xbe: {  	[dreg:$0x0] =	wrdreg $0xFFFFFFFF;
	(pc) =	sbr.abs _section_cstart, $3  }
0xbf: {  	[dreg:$0x1] =	wrdreg $0xFFFFFFFF  }
0xc0: {  	_ =	task.clear_ibuf [dreg:s6], $0x2FFFF;
	_ =	strace $0x9FFFFFFF  }
0xc1: {  	(tm) =	ssettm $0x7FFFFFFF  }
tec
execute0_lowered:
.L_overlay_start_1:
0x0: {  	(tag) =	ssettag $0x1  }
0x1: {  	s7 =	rddreg [dreg:$0x0]  }
0x2: {  	s0 =	rddreg [dreg:$0x1]  }
0x3: {  	s1 =	simm.s32 $0x0;
	s2 =	srdreg.scid;
	s12 =	simm.s32 $0x800  }
0x4: {  	s13 =	simm.s32 $0xC00;
	s14 =	simm.s32 $0x4C00;
	s15 =	simm.s32 $0x1  }
0x5: {  	s16 =	simm.s32 $0x2;
	s17 =	simm.s32 $0x8C00;
	s18 =	simm.s32 $0x0  }
0x6: {  	[smem:$0x7FF] =	sst s1;
	s3 =	sadd.s32 $0xF43C00, s7;
	s8 =	sand.u32 $0x1, s2  }
0x7: {  	s4 =	sadd.s32 $0x1800, s7;
	s2 =	stileid.u32;
	s5 =	sadd.s32 $0xF50C00, s7  }
0x8: {  	s6 =	sadd.s32 $0xF6F600, s7;
	s7 =	sadd.s32 $0x103F600, s7;
	s9 =	ssub.s32 $0x2, s8  }
0x9: {  	_ =	strace $0x80000047;
	s11 =	sshll.u32 s2, $0x1;
	s10 =	sshrl.u32 s9, $0x1  }
0xa: {  	v0 =	vlaneseq.u32;
	s8 =	sor.u32 s8, s11;
	s11 =	simm.s32 $0x400;
	s9 =	ssub.s32 s9, s10  }
0xb: {  	v0 =	vmul.u32 $0x10, v0;
	s8 =	smul.u32 $0x3400, s8;
	s10 =	simm.s32 $0x3;
	s9 =	smax.u32 s9, $0x1  }
.LBB2_1:
0xc: {  	s19 =	simm.s32 $0x0  }
.LBB2_2:
0xd: {  	s20 =	sshll.u32 s19, $0xA  }
0xe: {  	s21 =	sadd.s32 s8, s20  }
0xf: {  	s20 =	sshrl.u32 s21, $0x3  }
0x10: {  	s23 =	simm.s32 $0x0;
	s22 =	sadd.s32 s3, s20  }
0x11: {  	[tilespmem:s23], [sflag:$0x3] =	stream.linear.gather [hbm4b:s22+s23], $0x400, $0x38;
	[tilespmem:$0x9000] =	vst v63  }
0x12: {  	_ =	swait.ge [sflag:s10], $0x400  }
0x13: {  	[sflag:s10] =	ssyncset.done $0x0  }
0x14: {  	s22 =	simm.s32 $0x0;
	[sflag:s10] =	ssyncadd.s32 $0xFFFFFC00  }
0x15: {  	v1 =	vld [tilespmem:s22+$0x0]  }
0x16: {  	s23 =	simm.s32 $0x40  }
.LBB2_3:
0x17: {  	p0 =	sne.s32 s23, $0xFC0  }
.Ltmp0:
0x18: {  	_ = 	snop;
	(pc) =	sbr.rel @p0 .LBB2_3-.Ltmp0, $4  }
0x19: {  	_ = 	snop  }
0x1a: {  	s24 =	sshra.s32 s23, $0x2;
	s23 =	sadd.s32 $0x40, s23;
	v2 =	vshrl.u32 v1, $0x4;
	v3 =	vshll.u32 v1, $0x3  }
0x1b: {  	v1 =	vld [tilespmem:s24+$0x0];
	[tilespmem:s22+$0x800] =	vst v3  }
0x1c: {  	[tilespmem:s22+$0x400] =	vst v2;
	s22 =	smov.u32 s24  }
0x1d: {  	_ =	sdelay $0x2  }
0x1e: {  	v2 =	vshll.u32 v1, $0x3  }
0x1f: {  	v1 =	vshrl.u32 v1, $0x4;
	[tilespmem:s22+$0x800] =	vst v2  }
0x20: {  	[tilespmem:s22+$0x400] =	vst v1  }
0x21: {  	[tilespmem:s13], [sflag:$0x1] =	stream.indirect.gather [hbm4b:s4+s11], $0x10, s12, s11, $0xb8;
	[tilespmem:$0x9000] =	vst v63  }
0x22: {  	_ = 	snop  }
0x23: {  	[tilespmem:s14], [sflag:$0x2] =	stream.indirect.gather [hbm4b:s5+s11], $0x10, s11, s11, $0xb8;
	[tilespmem:$0x9000] =	vst v63  }
0x24: {  	_ =	swait.ge [sflag:s15], $0x4000  }
0x25: {  	s21 =	sshll.u32 s21, $0x1;
	[sflag:s15] =	ssyncset.done $0x0  }
0x26: {  	s31 =	simm.s32 $0x0;
	s21 =	sadd.s32 s6, s21;
	[sflag:s15] =	ssyncadd.s32 $0xFFFFC000  }
0x27: {  	[hbm4b:s21+s31] =	stream.linear.scatter [tilespmem:s13], [sflag:$0x3], $0x4000, $0x38;
	[tilespmem:$0x9000] =	vst v63  }
0x28: {  	_ =	swait.ge [sflag:s10], $0x4000  }
0x29: {  	[sflag:s10] =	ssyncset.done $0x0  }
0x2a: {  	[sflag:s10] =	ssyncadd.s32 $0xFFFFC000  }
0x2b: {  	_ =	swait.ge [sflag:s16], $0x4000  }
0x2c: {  	[sflag:s16] =	ssyncset.done $0x0  }
0x2d: {  	[sflag:s16] =	ssyncadd.s32 $0xFFFFC000  }
0x2e: {  	v1 =	vld [tilespmem:s31+$0x0];
	_ =	sdelay $0x2  }
0x2f: {  	v2 =	vmov s31  }
0x30: {  	v2 =	vshll.u32 v2, $0x4  }
0x31: {  	v2 =	vor.u32 v0, v2;
	v1 =	vand.u32 $0xF, v1  }
0x32: {  	v1 =	vor.u32 v2, v1;
	_ =	sdelay $0x4  }
0x33: {  	v1 =	vld.idx.msk [tilespmem:v1+s14+$0x0], $0xffff;
	_ =	sdelay $0x3  }
0x34: {  	s21 =	simm.s32 $0x8C00  }
0x35: {  	s22 =	simm.s32 $0x10;
	[tilespmem:s21+$0x0] =	vst v1  }
0x36: {  	s23 =	simm.s32 $0x20;
	s24 =	simm.s32 $0x10;
	v1 =	vld [tilespmem:s22+$0x0]  }
.LBB2_5:
0x37: {  	p0 =	sne.s32 s23, $0x3F0;
	_ =	sdelay $0x1  }
0x38: {  	v2 =	vmov s22;
	s22 =	smov.u32 s23  }
0x39: {  	v2 =	vshll.u32 v2, $0x4  }
0x3a: {  	v2 =	vor.u32 v0, v2;
	v1 =	vand.u32 $0xF, v1  }
0x3b: {  	v1 =	vor.u32 v2, v1;
	_ =	sdelay $0x4  }
0x3c: {  	v1 =	vld.idx.msk [tilespmem:v1+s14+$0x0], $0xffff;
	_ =	sdelay $0x2  }
.Ltmp1:
0x3d: {  	(pc) =	sbr.rel @p0 .LBB2_5-.Ltmp1, $4  }
0x3e: {  	_ = 	snop  }
0x3f: {  	s21 =	sadd.s32 $0x10, s21  }
0x40: {  	s24 =	sadd.s32 $0x10, s24;
	[tilespmem:s21+$0x0] =	vst v1  }
0x41: {  	s23 =	sadd.s32 $0x10, s23;
	v1 =	vld [tilespmem:s24+$0x0]  }
0x42: {  	_ =	sdelay $0x1  }
0x43: {  	v2 =	vmov s22  }
0x44: {  	v2 =	vshll.u32 v2, $0x4  }
0x45: {  	v2 =	vor.u32 v0, v2;
	v1 =	vand.u32 $0xF, v1  }
0x46: {  	v1 =	vor.u32 v2, v1;
	_ =	sdelay $0x4  }
0x47: {  	v1 =	vld.idx.msk [tilespmem:v1+s14+$0x0], $0xffff;
	_ =	sdelay $0x2  }
0x48: {  	s19 =	sadd.s32 $0x1, s19  }
0x49: {  	s21 =	sadd.s32 $0x10, s21;
	p0 =	sne.s32 s19, $0xD  }
.Ltmp2:
0x4a: {  	s20 =	sadd.s32 s7, s20;
	[tilespmem:s21+$0x0] =	vst v1;
	(pc) =	sbr.rel @p0 .LBB2_2-.Ltmp2, $4  }
0x4b: {  	[hbm4b:s20+s1] =	stream.linear.scatter [tilespmem:s17], [sflag:$0x3], $0x400, $0x38;
	[tilespmem:$0x9000] =	vst v63  }
0x4c: {  	_ =	swait.ge [sflag:s10], $0x400  }
0x4d: {  	[sflag:s10] =	ssyncset.done $0x0  }
0x4e: {  	[sflag:s10] =	ssyncadd.s32 $0xFFFFFC00  }
0x4f: {  	s18 =	sadd.s32 $0x1, s18  }
0x50: {  	p0 =	sne.s32 s18, s9  }
.Ltmp3:
0x51: {  	_ = 	snop;
	(pc) =	sbr.rel @p0 .LBB2_1-.Ltmp3, $1  }
0x52: {  	_ =	sdelay $0x3  }
0x53: {  	_ =	sfence.sel $0x180000  }
0x54: {  	[bflag:$0x0] =	sbarrier.arrive $0xFFFF  }
0x55: {  	p0 =	sne.s32 s2, $0x0;
	_ =	strace $0x90000047  }
0x56: {  	s0 =	sadd.s32 @!p0 $0x100000, s0;
	[bflag:$0x2] =	sbarrier.arrive $0xFFFF  }
0x57: {  	[sflag:s0] =	ssyncadd.tile.s32 @!p0 $0x1;
	_ =	shalt  }
.Lfunc_end2:
_tile_overlayer_lowered:
.L_overlay_start_2:
0x58: {  	(tag) =	ssettag $0x2  }
0x59: {  	s0 =	rddreg [dreg:$0x0];
	s2 =	stileid.u32  }
0x5a: {  	s1 =	rddreg [dreg:$0x1];
	p0 =	sne.s32 s2, $0x0  }
0x5b: {  	s3 =	rddreg [dreg:$0x2];
	[bflag:$0x3] =	sbarrier.arrive $0xFFFF;
	s2 =	simm.s32 @!p0 $0x1C03  }
0x5c: {  	[timem:s3], [sflag:s2] =	dma.local @!p0 [hbm:s0], s1  }
0x5d: {  	s0 =	simm.s32 @!p0 $0x3  }
0x5e: {  	_ =	swait.ge @!p0 [sflag:s0], s1  }
0x5f: {  	s1 =	ssub.s32 @!p0 $0x0, s1;
	[sflag:s0] =	ssyncset.done @!p0 $0x0  }
0x60: {  	[sflag:s0] =	ssyncadd.s32 @!p0 s1  }
0x61: {  	[bflag:$0x3] =	sbarrier.arrive $0xFFFF  }
0x62: {  	_ =	shalt  }

</sc_bundles>
